<compile_context>
chip_gen: v7x
topology: tpu7x:2x2x1
jax: 0.10.2.dev20260603
libtpu: 0.0.44.dev20260713+nightly
codegen_flags: <defaults>
</compile_context>

<pallas_src>
import jax
import jax.numpy as jnp
from jax import lax
from jax.experimental import pallas as pl
from jax.experimental.pallas import tpu as pltpu
from jax.experimental.pallas import tpu_sc as plsc

MAXN = 100000
SEQL = 512
BLK = 2000
NC = 2
NS = 16
SEG = 16
SLAB1D = 4000
NW1D = MAXN // SLAB1D


def _tc_body(size_ref, seq_ref, nseq_ref, out_ref):
    i = pl.program_id(0)
    local = size_ref[0] - i * BLK
    rows = lax.broadcasted_iota(jnp.int32, (BLK, 1), 0)
    out_ref[...] = jnp.where(rows == local, nseq_ref[...], seq_ref[...])


def _tc_copy(size1, sequences, nseq2d):
    return pl.pallas_call(
        _tc_body,
        grid=(MAXN // BLK,),
        in_specs=[
            pl.BlockSpec(memory_space=pltpu.SMEM),
            pl.BlockSpec((BLK, SEQL), lambda i: (i, 0)),
            pl.BlockSpec((1, SEQL), lambda i: (0, 0)),
        ],
        out_specs=pl.BlockSpec((BLK, SEQL), lambda i: (i, 0)),
        out_shape=jax.ShapeDtypeStruct((MAXN, SEQL), jnp.int32),
    )(size1, sequences, nseq2d)


def _sc_body(len_in, lp_in, sc_in,
             len_out, lp_out, size_out,
             sc_v, seg_v, sl_i, sl_f):
    wid = lax.axis_index("s") * NC + lax.axis_index("c")
    pltpu.sync_copy(sc_in, sc_v)
    sc_vec = sc_v[...]
    s = sc_vec[0]
    nlen = sc_vec[1]
    nlp_bits = sc_vec[2]

    @pl.when(wid < NW1D)
    def _():
        o = wid * SLAB1D
        pltpu.sync_copy(len_in.at[pl.ds(o, SLAB1D)], sl_i)
        pltpu.sync_copy(sl_i, len_out.at[pl.ds(o, SLAB1D)])
        pltpu.sync_copy(lp_in.at[pl.ds(o, SLAB1D)], sl_f)
        pltpu.sync_copy(sl_f, lp_out.at[pl.ds(o, SLAB1D)])

    lane = lax.iota(jnp.int32, SEG)
    b16 = (s // SEG) * SEG
    c = s - b16

    @pl.when((s < MAXN) & (wid == s // SLAB1D))
    def _():
        pltpu.sync_copy(len_in.at[pl.ds(b16, SEG)], seg_v)
        seg_v[...] = jnp.where(lane == c, nlen, seg_v[...])
        pltpu.sync_copy(seg_v, len_out.at[pl.ds(b16, SEG)])
        pltpu.sync_copy(lp_in.at[pl.ds(b16, SEG)], seg_v)
        seg_v[...] = jnp.where(lane == c, nlp_bits, seg_v[...])
        pltpu.sync_copy(seg_v, lp_out.at[pl.ds(b16, SEG)])

    @pl.when(wid == NW1D)
    def _():
        seg_v[...] = jnp.where(lane == 0, s + 1, 0)
        pltpu.sync_copy(seg_v, size_out)


_sc_small = pl.kernel(
    _sc_body,
    out_type=(
        jax.ShapeDtypeStruct((MAXN,), jnp.int32),
        jax.ShapeDtypeStruct((MAXN,), jnp.int32),
        jax.ShapeDtypeStruct((SEG,), jnp.int32),
    ),
    mesh=plsc.VectorSubcoreMesh(core_axis_name="c", subcore_axis_name="s"),
    scratch_types=[
        pltpu.VMEM((SEG,), jnp.int32),
        pltpu.VMEM((SEG,), jnp.int32),
        pltpu.VMEM((SLAB1D,), jnp.int32),
        pltpu.VMEM((SLAB1D,), jnp.int32),
    ],
)


def kernel(sequences, sequence_lengths, log_probabilities, size,
           node_sequence, node_sequence_length, node_log_probability):
    lp_bits = lax.bitcast_convert_type(node_log_probability, jnp.int32)
    scalars = (jnp.zeros((SEG,), jnp.int32)
               .at[0].set(size)
               .at[1].set(node_sequence_length)
               .at[2].set(lp_bits))
    lp_in = lax.bitcast_convert_type(log_probabilities, jnp.int32)
    len_o, lp_o, size_o = _sc_small(sequence_lengths, lp_in, scalars)
    seq_o = _tc_copy(size.reshape(1), sequences,
                     node_sequence.reshape(1, SEQL))
    return (seq_o, len_o,
            lax.bitcast_convert_type(lp_o, jnp.float32),
            size_o[0])

# --- scband reference (transcript-rebuilt; emitter-appended) ---
"""Pipeline reference for scband-tree-data-73727408603447 (READ-ONLY COPY).

The authoritative reference and input builder live on the scoring server;
editing this copy changes nothing except your own understanding.
"""

import jax, jax.numpy as jnp
import numpy as np

MAX_SIZE = 100000
MAX_SEQ_LEN = 512


def setup_inputs(seed: int = 0) -> dict:
    key = jax.random.key(seed)
    k1, k2 = jax.random.split(key)
    # Tree state (as created by TreeData.empty(max_size, max_sequence_length))
    sequences = jnp.zeros((MAX_SIZE, MAX_SEQ_LEN), dtype=jnp.int32)
    sequence_lengths = jnp.zeros((MAX_SIZE,), dtype=jnp.int32)
    log_probabilities = jnp.zeros((MAX_SIZE,), dtype=jnp.float32)
    size = jnp.array(50000, dtype=jnp.int32)  # tree is half full
    # MixedStateNode fields used by TreeData.add
    node_sequence = jax.random.randint(k1, (MAX_SEQ_LEN,), 0, 256, dtype=jnp.int32)
    node_sequence_length = jnp.array(317, dtype=jnp.int32)
    node_log_probability = jax.random.normal(k2, (), dtype=jnp.float32)
    return {
        "sequences": sequences,
        "sequence_lengths": sequence_lengths,
        "log_probabilities": log_probabilities,
        "size": size,
        "node_sequence": node_sequence,
        "node_sequence_length": node_sequence_length,
        "node_log_probability": node_log_probability,
    }


def reference(sequences, sequence_lengths, log_probabilities, size,
              node_sequence, node_sequence_length, node_log_probability):
    # Faithful translation of TreeData.add(node): scatter-overwrite at row `size`.
    new_sequences = sequences.at[size].set(node_sequence)
    new_sequence_lengths = sequence_lengths.at[size].set(node_sequence_length)
    new_log_probabilities = log_probabilities.at[size].set(node_log_probability)
    new_size = size + 1
    return (new_sequences, new_sequence_lengths, new_log_probabilities, new_size)

if __name__ == "__main__":
    import jax
    _d = setup_inputs()
    print(jax.jit(kernel)(*tuple(_d.values())))

</pallas_src>

<mosaic_0001>
#map = affine_map<(d0, d1) -> (0)>
module attributes {stable_mosaic.version = 14 : i64} {
  func.func @_sc_body(%arg0: i32, %arg1: i32, %arg2: memref<100000xi32, #tpu.memory_space<hbm>>, %arg3: memref<100000xi32, #tpu.memory_space<hbm>>, %arg4: memref<16xi32, #tpu.memory_space<hbm>>, %arg5: memref<100000xi32, #tpu.memory_space<hbm>>, %arg6: memref<100000xi32, #tpu.memory_space<hbm>>, %arg7: memref<16xi32, #tpu.memory_space<hbm>>, %arg8: memref<16xi32, #tpu.memory_space<vmem>>, %arg9: memref<16xi32, #tpu.memory_space<vmem>>, %arg10: memref<4000xi32, #tpu.memory_space<vmem>>, %arg11: memref<4000xi32, #tpu.memory_space<vmem>>) attributes {dimension_semantics = [#tpu.dimension_semantics<core_parallel>, #tpu.dimension_semantics<subcore_parallel>], iteration_bounds = array<i64: 2, 16>, scalar_prefetch = 0 : i64, scratch_operands = 4 : i64, tpu.core_type = #tpu.core_type<sc_vector_subcore>, window_params = [{transform_indices = #map}, {transform_indices = #map}, {transform_indices = #map}, {transform_indices = #map}, {transform_indices = #map}, {transform_indices = #map}]} {
    %mul3A = arith.constant 2 : i32
    %mul3A_0 = arith.muli %arg1, %mul3A : i32
    %add3A = arith.addi %mul3A_0, %arg0 : i32
    "tpu.region"() ({
      %run_scoped3A = tpu.sem_alloc : memref<!tpu.dma_semaphore, #tpu.memory_space<semaphore_mem>>
      tpu.enqueue_dma source(%arg4 : memref<16xi32, #tpu.memory_space<hbm>>) target(%arg8 : memref<16xi32, #tpu.memory_space<vmem>>) target_semaphore(%run_scoped3A : memref<!tpu.dma_semaphore, #tpu.memory_space<semaphore_mem>>)
      tpu.wait_dma2 semaphore(%run_scoped3A : memref<!tpu.dma_semaphore, #tpu.memory_space<semaphore_mem>>) src(%arg4 : memref<16xi32, #tpu.memory_space<hbm>>) dst(%arg8 : memref<16xi32, #tpu.memory_space<vmem>>)
      tpu.yield
    }) : () -> ()
    %get3A = arith.constant 0 : index
    %get3A_1 = tpu.vector_load %arg8[%get3A] {strides = array<i32>} : memref<16xi32, #tpu.memory_space<vmem>>, vector<16xi32>,
    %get3A_2 = vector.shape_cast %get3A_1 : vector<16xi32> to vector<16xi32>
    %slice3A = vector.extract_strided_slice %get3A_2 {offsets = [0], sizes = [1], strides = [1]} : vector<16xi32> to vector<1xi32>
    %squeeze3A = vector.extract %slice3A[0] : i32 from vector<1xi32>
    %slice3A_3 = vector.extract_strided_slice %get3A_2 {offsets = [1], sizes = [1], strides = [1]} : vector<16xi32> to vector<1xi32>
    %squeeze3A_4 = vector.extract %slice3A_3[0] : i32 from vector<1xi32>
    %slice3A_5 = vector.extract_strided_slice %get3A_2 {offsets = [2], sizes = [1], strides = [1]} : vector<16xi32> to vector<1xi32>
    %squeeze3A_6 = vector.extract %slice3A_5[0] : i32 from vector<1xi32>
    %lt3A = arith.constant 25 : i32
    %lt3A_7 = arith.cmpi slt, %add3A, %lt3A : i32
    %convert_element_type3A = arith.extui %lt3A_7 : i1 to i32
    %cond3A = arith.constant 0 : i32
    %cond3A_8 = arith.cmpi ne, %convert_element_type3A, %cond3A : i32
    scf.if %cond3A_8 {
      %mul3A_63 = arith.constant 4000 : i32
      %mul3A_64 = arith.muli %add3A, %mul3A_63 : i32
      "tpu.region"() ({
        %run_scoped3A = tpu.sem_alloc : memref<!tpu.dma_semaphore, #tpu.memory_space<semaphore_mem>>
        %dma_start3A = tpu.memref_slice %arg2[%mul3A_64] : memref<100000xi32, #tpu.memory_space<hbm>> -> memref<4000xi32, #tpu.memory_space<hbm>>
        %dma_start3A_65 = tpu.memref_slice %arg2[%mul3A_64] : memref<100000xi32, #tpu.memory_space<hbm>> -> memref<4000xi32, #tpu.memory_space<hbm>>
        tpu.enqueue_dma source(%dma_start3A_65 : memref<4000xi32, #tpu.memory_space<hbm>>) target(%arg10 : memref<4000xi32, #tpu.memory_space<vmem>>) target_semaphore(%run_scoped3A : memref<!tpu.dma_semaphore, #tpu.memory_space<semaphore_mem>>)
        %dma_wait3A = tpu.memref_slice %arg2[%mul3A_64] : memref<100000xi32, #tpu.memory_space<hbm>> -> memref<4000xi32, #tpu.memory_space<hbm>>
        %dma_wait3A_66 = tpu.memref_slice %arg2[%mul3A_64] : memref<100000xi32, #tpu.memory_space<hbm>> -> memref<4000xi32, #tpu.memory_space<hbm>>
        tpu.wait_dma2 semaphore(%run_scoped3A : memref<!tpu.dma_semaphore, #tpu.memory_space<semaphore_mem>>) src(%dma_wait3A_66 : memref<4000xi32, #tpu.memory_space<hbm>>) dst(%arg10 : memref<4000xi32, #tpu.memory_space<vmem>>)
        tpu.yield
      }) : () -> ()
      "tpu.region"() ({
        %run_scoped3A = tpu.sem_alloc : memref<!tpu.dma_semaphore, #tpu.memory_space<semaphore_mem>>
        %dma_start3A = tpu.memref_slice %arg5[%mul3A_64] : memref<100000xi32, #tpu.memory_space<hbm>> -> memref<4000xi32, #tpu.memory_space<hbm>>
        %dma_start3A_65 = tpu.memref_slice %arg5[%mul3A_64] : memref<100000xi32, #tpu.memory_space<hbm>> -> memref<4000xi32, #tpu.memory_space<hbm>>
        tpu.enqueue_dma source(%arg10 : memref<4000xi32, #tpu.memory_space<vmem>>) target(%dma_start3A_65 : memref<4000xi32, #tpu.memory_space<hbm>>) target_semaphore(%run_scoped3A : memref<!tpu.dma_semaphore, #tpu.memory_space<semaphore_mem>>)
        %dma_wait3A = tpu.memref_slice %arg5[%mul3A_64] : memref<100000xi32, #tpu.memory_space<hbm>> -> memref<4000xi32, #tpu.memory_space<hbm>>
        %dma_wait3A_66 = tpu.memref_slice %arg5[%mul3A_64] : memref<100000xi32, #tpu.memory_space<hbm>> -> memref<4000xi32, #tpu.memory_space<hbm>>
        tpu.wait_dma2 semaphore(%run_scoped3A : memref<!tpu.dma_semaphore, #tpu.memory_space<semaphore_mem>>) src(%arg10 : memref<4000xi32, #tpu.memory_space<vmem>>) dst(%dma_wait3A_66 : memref<4000xi32, #tpu.memory_space<hbm>>)
        tpu.yield
      }) : () -> ()
      "tpu.region"() ({
        %run_scoped3A = tpu.sem_alloc : memref<!tpu.dma_semaphore, #tpu.memory_space<semaphore_mem>>
        %dma_start3A = tpu.memref_slice %arg3[%mul3A_64] : memref<100000xi32, #tpu.memory_space<hbm>> -> memref<4000xi32, #tpu.memory_space<hbm>>
        %dma_start3A_65 = tpu.memref_slice %arg3[%mul3A_64] : memref<100000xi32, #tpu.memory_space<hbm>> -> memref<4000xi32, #tpu.memory_space<hbm>>
        tpu.enqueue_dma source(%dma_start3A_65 : memref<4000xi32, #tpu.memory_space<hbm>>) target(%arg11 : memref<4000xi32, #tpu.memory_space<vmem>>) target_semaphore(%run_scoped3A : memref<!tpu.dma_semaphore, #tpu.memory_space<semaphore_mem>>)
        %dma_wait3A = tpu.memref_slice %arg3[%mul3A_64] : memref<100000xi32, #tpu.memory_space<hbm>> -> memref<4000xi32, #tpu.memory_space<hbm>>
        %dma_wait3A_66 = tpu.memref_slice %arg3[%mul3A_64] : memref<100000xi32, #tpu.memory_space<hbm>> -> memref<4000xi32, #tpu.memory_space<hbm>>
        tpu.wait_dma2 semaphore(%run_scoped3A : memref<!tpu.dma_semaphore, #tpu.memory_space<semaphore_mem>>) src(%dma_wait3A_66 : memref<4000xi32, #tpu.memory_space<hbm>>) dst(%arg11 : memref<4000xi32, #tpu.memory_space<vmem>>)
        tpu.yield
      }) : () -> ()
      "tpu.region"() ({
        %run_scoped3A = tpu.sem_alloc : memref<!tpu.dma_semaphore, #tpu.memory_space<semaphore_mem>>
        %dma_start3A = tpu.memref_slice %arg6[%mul3A_64] : memref<100000xi32, #tpu.memory_space<hbm>> -> memref<4000xi32, #tpu.memory_space<hbm>>
        %dma_start3A_65 = tpu.memref_slice %arg6[%mul3A_64] : memref<100000xi32, #tpu.memory_space<hbm>> -> memref<4000xi32, #tpu.memory_space<hbm>>
        tpu.enqueue_dma source(%arg11 : memref<4000xi32, #tpu.memory_space<vmem>>) target(%dma_start3A_65 : memref<4000xi32, #tpu.memory_space<hbm>>) target_semaphore(%run_scoped3A : memref<!tpu.dma_semaphore, #tpu.memory_space<semaphore_mem>>)
        %dma_wait3A = tpu.memref_slice %arg6[%mul3A_64] : memref<100000xi32, #tpu.memory_space<hbm>> -> memref<4000xi32, #tpu.memory_space<hbm>>
        %dma_wait3A_66 = tpu.memref_slice %arg6[%mul3A_64] : memref<100000xi32, #tpu.memory_space<hbm>> -> memref<4000xi32, #tpu.memory_space<hbm>>
        tpu.wait_dma2 semaphore(%run_scoped3A : memref<!tpu.dma_semaphore, #tpu.memory_space<semaphore_mem>>) src(%arg11 : memref<4000xi32, #tpu.memory_space<vmem>>) dst(%dma_wait3A_66 : memref<4000xi32, #tpu.memory_space<hbm>>)
        tpu.yield
      }) : () -> ()
    } else {
    }
    %iota3A = tpu.iota {dimensions = array<i32: 0>} : vector<16xi32>
    %jit3A = arith.constant 16 : i32
    %div3A = arith.divsi %squeeze3A, %jit3A : i32
    %sign3A = arith.constant 0 : i32
    %sign3A_9 = arith.cmpi sgt, %squeeze3A, %sign3A : i32
    %sign3A_10 = arith.extui %sign3A_9 : i1 to i32
    %sign3A_11 = arith.constant 0 : i32
    %sign3A_12 = arith.cmpi slt, %squeeze3A, %sign3A_11 : i32
    %sign3A_13 = arith.extui %sign3A_12 : i1 to i32
    %sign3A_14 = arith.subi %sign3A_10, %sign3A_13 : i32
    %sign3A_15 = arith.constant 0 : i32
    %sign3A_16 = arith.cmpi sgt, %jit3A, %sign3A_15 : i32
    %sign3A_17 = arith.extui %sign3A_16 : i1 to i32
    %sign3A_18 = arith.constant 0 : i32
    %sign3A_19 = arith.cmpi slt, %jit3A, %sign3A_18 : i32
    %sign3A_20 = arith.extui %sign3A_19 : i1 to i32
    %sign3A_21 = arith.subi %sign3A_17, %sign3A_20 : i32
    %ne3A = arith.cmpi ne, %sign3A_14, %sign3A_21 : i32
    %rem3A = arith.remsi %squeeze3A, %jit3A : i32
    %ne3A_22 = arith.constant 0 : i32
    %ne3A_23 = arith.cmpi ne, %rem3A, %ne3A_22 : i32
    %and3A = arith.andi %ne3A, %ne3A_23 : i1
    %sub3A = arith.constant 1 : i32
    %sub3A_24 = arith.subi %div3A, %sub3A : i32
    %select_n3A = arith.select %and3A, %sub3A_24, %div3A : i32
    %mul3A_25 = arith.constant 16 : i32
    %mul3A_26 = arith.muli %select_n3A, %mul3A_25 : i32
    %sub3A_27 = arith.subi %squeeze3A, %mul3A_26 : i32
    %lt3A_28 = arith.constant 100000 : i32
    %lt3A_29 = arith.cmpi slt, %squeeze3A, %lt3A_28 : i32
    %jit3A_30 = arith.constant 4000 : i32
    %div3A_31 = arith.divsi %squeeze3A, %jit3A_30 : i32
    %sign3A_32 = arith.constant 0 : i32
    %sign3A_33 = arith.cmpi sgt, %squeeze3A, %sign3A_32 : i32
    %sign3A_34 = arith.extui %sign3A_33 : i1 to i32
    %sign3A_35 = arith.constant 0 : i32
    %sign3A_36 = arith.cmpi slt, %squeeze3A, %sign3A_35 : i32
    %sign3A_37 = arith.extui %sign3A_36 : i1 to i32
    %sign3A_38 = arith.subi %sign3A_34, %sign3A_37 : i32
    %sign3A_39 = arith.constant 0 : i32
    %sign3A_40 = arith.cmpi sgt, %jit3A_30, %sign3A_39 : i32
    %sign3A_41 = arith.extui %sign3A_40 : i1 to i32
    %sign3A_42 = arith.constant 0 : i32
    %sign3A_43 = arith.cmpi slt, %jit3A_30, %sign3A_42 : i32
    %sign3A_44 = arith.extui %sign3A_43 : i1 to i32
    %sign3A_45 = arith.subi %sign3A_41, %sign3A_44 : i32
    %ne3A_46 = arith.cmpi ne, %sign3A_38, %sign3A_45 : i32
    %rem3A_47 = arith.remsi %squeeze3A, %jit3A_30 : i32
    %ne3A_48 = arith.constant 0 : i32
    %ne3A_49 = arith.cmpi ne, %rem3A_47, %ne3A_48 : i32
    %and3A_50 = arith.andi %ne3A_46, %ne3A_49 : i1
    %sub3A_51 = arith.constant 1 : i32
    %sub3A_52 = arith.subi %div3A_31, %sub3A_51 : i32
    %select_n3A_53 = arith.select %and3A_50, %sub3A_52, %div3A_31 : i32
    %eq3A = arith.cmpi eq, %add3A, %select_n3A_53 : i32
    %and3A_54 = arith.andi %lt3A_29, %eq3A : i1
    %convert_element_type3A_55 = arith.extui %and3A_54 : i1 to i32
    %cond3A_56 = arith.constant 0 : i32
    %cond3A_57 = arith.cmpi ne, %convert_element_type3A_55, %cond3A_56 : i32
    scf.if %cond3A_57 {
      "tpu.region"() ({
        %run_scoped3A = tpu.sem_alloc : memref<!tpu.dma_semaphore, #tpu.memory_space<semaphore_mem>>
        %dma_start3A = tpu.memref_slice %arg2[%mul3A_26] : memref<100000xi32, #tpu.memory_space<hbm>> -> memref<16xi32, #tpu.memory_space<hbm>>
        %dma_start3A_83 = tpu.memref_slice %arg2[%mul3A_26] : memref<100000xi32, #tpu.memory_space<hbm>> -> memref<16xi32, #tpu.memory_space<hbm>>
        tpu.enqueue_dma source(%dma_start3A_83 : memref<16xi32, #tpu.memory_space<hbm>>) target(%arg9 : memref<16xi32, #tpu.memory_space<vmem>>) target_semaphore(%run_scoped3A : memref<!tpu.dma_semaphore, #tpu.memory_space<semaphore_mem>>)
        %dma_wait3A = tpu.memref_slice %arg2[%mul3A_26] : memref<100000xi32, #tpu.memory_space<hbm>> -> memref<16xi32, #tpu.memory_space<hbm>>
        %dma_wait3A_84 = tpu.memref_slice %arg2[%mul3A_26] : memref<100000xi32, #tpu.memory_space<hbm>> -> memref<16xi32, #tpu.memory_space<hbm>>
        tpu.wait_dma2 semaphore(%run_scoped3A : memref<!tpu.dma_semaphore, #tpu.memory_space<semaphore_mem>>) src(%dma_wait3A_84 : memref<16xi32, #tpu.memory_space<hbm>>) dst(%arg9 : memref<16xi32, #tpu.memory_space<vmem>>)
        tpu.yield
      }) : () -> ()
      %eq3A_63 = vector.broadcast %sub3A_27 : i32 to vector<16xi32>
      %eq3A_64 = arith.cmpi eq, %iota3A, %eq3A_63 : vector<16xi32>
      %get3A_65 = arith.constant 0 : index
      %get3A_66 = tpu.vector_load %arg9[%get3A_65] {strides = array<i32>} : memref<16xi32, #tpu.memory_space<vmem>>, vector<16xi32>,
      %get3A_67 = vector.shape_cast %get3A_66 : vector<16xi32> to vector<16xi32>
      %broadcast_in_dim3A = vector.broadcast %squeeze3A_4 : i32 to vector<16xi32>
      %select_n3A_68 = arith.select %eq3A_64, %broadcast_in_dim3A, %get3A_67 : vector<16xi1>, vector<16xi32>
      %swap3A = arith.constant 0 : index
      %swap3A_69 = tpu.vector_load %arg9[%swap3A] {strides = array<i32>} : memref<16xi32, #tpu.memory_space<vmem>>, vector<16xi32>,
      %swap3A_70 = vector.shape_cast %swap3A_69 : vector<16xi32> to vector<16xi32>
      %swap3A_71 = vector.shape_cast %select_n3A_68 : vector<16xi32> to vector<16xi32>
      tpu.vector_store %arg9[%swap3A], %swap3A_71 {strides = array<i32>} : memref<16xi32, #tpu.memory_space<vmem>>, vector<16xi32>,
      "tpu.region"() ({
        %run_scoped3A = tpu.sem_alloc : memref<!tpu.dma_semaphore, #tpu.memory_space<semaphore_mem>>
        %dma_start3A = tpu.memref_slice %arg5[%mul3A_26] : memref<100000xi32, #tpu.memory_space<hbm>> -> memref<16xi32, #tpu.memory_space<hbm>>
        %dma_start3A_83 = tpu.memref_slice %arg5[%mul3A_26] : memref<100000xi32, #tpu.memory_space<hbm>> -> memref<16xi32, #tpu.memory_space<hbm>>
        tpu.enqueue_dma source(%arg9 : memref<16xi32, #tpu.memory_space<vmem>>) target(%dma_start3A_83 : memref<16xi32, #tpu.memory_space<hbm>>) target_semaphore(%run_scoped3A : memref<!tpu.dma_semaphore, #tpu.memory_space<semaphore_mem>>)
        %dma_wait3A = tpu.memref_slice %arg5[%mul3A_26] : memref<100000xi32, #tpu.memory_space<hbm>> -> memref<16xi32, #tpu.memory_space<hbm>>
        %dma_wait3A_84 = tpu.memref_slice %arg5[%mul3A_26] : memref<100000xi32, #tpu.memory_space<hbm>> -> memref<16xi32, #tpu.memory_space<hbm>>
        tpu.wait_dma2 semaphore(%run_scoped3A : memref<!tpu.dma_semaphore, #tpu.memory_space<semaphore_mem>>) src(%arg9 : memref<16xi32, #tpu.memory_space<vmem>>) dst(%dma_wait3A_84 : memref<16xi32, #tpu.memory_space<hbm>>)
        tpu.yield
      }) : () -> ()
      "tpu.region"() ({
        %run_scoped3A = tpu.sem_alloc : memref<!tpu.dma_semaphore, #tpu.memory_space<semaphore_mem>>
        %dma_start3A = tpu.memref_slice %arg3[%mul3A_26] : memref<100000xi32, #tpu.memory_space<hbm>> -> memref<16xi32, #tpu.memory_space<hbm>>
        %dma_start3A_83 = tpu.memref_slice %arg3[%mul3A_26] : memref<100000xi32, #tpu.memory_space<hbm>> -> memref<16xi32, #tpu.memory_space<hbm>>
        tpu.enqueue_dma source(%dma_start3A_83 : memref<16xi32, #tpu.memory_space<hbm>>) target(%arg9 : memref<16xi32, #tpu.memory_space<vmem>>) target_semaphore(%run_scoped3A : memref<!tpu.dma_semaphore, #tpu.memory_space<semaphore_mem>>)
        %dma_wait3A = tpu.memref_slice %arg3[%mul3A_26] : memref<100000xi32, #tpu.memory_space<hbm>> -> memref<16xi32, #tpu.memory_space<hbm>>
        %dma_wait3A_84 = tpu.memref_slice %arg3[%mul3A_26] : memref<100000xi32, #tpu.memory_space<hbm>> -> memref<16xi32, #tpu.memory_space<hbm>>
        tpu.wait_dma2 semaphore(%run_scoped3A : memref<!tpu.dma_semaphore, #tpu.memory_space<semaphore_mem>>) src(%dma_wait3A_84 : memref<16xi32, #tpu.memory_space<hbm>>) dst(%arg9 : memref<16xi32, #tpu.memory_space<vmem>>)
        tpu.yield
      }) : () -> ()
      %eq3A_72 = vector.broadcast %sub3A_27 : i32 to vector<16xi32>
      %eq3A_73 = arith.cmpi eq, %iota3A, %eq3A_72 : vector<16xi32>
      %get3A_74 = arith.constant 0 : index
      %get3A_75 = tpu.vector_load %arg9[%get3A_74] {strides = array<i32>} : memref<16xi32, #tpu.memory_space<vmem>>, vector<16xi32>,
      %get3A_76 = vector.shape_cast %get3A_75 : vector<16xi32> to vector<16xi32>
      %broadcast_in_dim3A_77 = vector.broadcast %squeeze3A_6 : i32 to vector<16xi32>
      %select_n3A_78 = arith.select %eq3A_73, %broadcast_in_dim3A_77, %get3A_76 : vector<16xi1>, vector<16xi32>
      %swap3A_79 = arith.constant 0 : index
      %swap3A_80 = tpu.vector_load %arg9[%swap3A_79] {strides = array<i32>} : memref<16xi32, #tpu.memory_space<vmem>>, vector<16xi32>,
      %swap3A_81 = vector.shape_cast %swap3A_80 : vector<16xi32> to vector<16xi32>
      %swap3A_82 = vector.shape_cast %select_n3A_78 : vector<16xi32> to vector<16xi32>
      tpu.vector_store %arg9[%swap3A_79], %swap3A_82 {strides = array<i32>} : memref<16xi32, #tpu.memory_space<vmem>>, vector<16xi32>,
      "tpu.region"() ({
        %run_scoped3A = tpu.sem_alloc : memref<!tpu.dma_semaphore, #tpu.memory_space<semaphore_mem>>
        %dma_start3A = tpu.memref_slice %arg6[%mul3A_26] : memref<100000xi32, #tpu.memory_space<hbm>> -> memref<16xi32, #tpu.memory_space<hbm>>
        %dma_start3A_83 = tpu.memref_slice %arg6[%mul3A_26] : memref<100000xi32, #tpu.memory_space<hbm>> -> memref<16xi32, #tpu.memory_space<hbm>>
        tpu.enqueue_dma source(%arg9 : memref<16xi32, #tpu.memory_space<vmem>>) target(%dma_start3A_83 : memref<16xi32, #tpu.memory_space<hbm>>) target_semaphore(%run_scoped3A : memref<!tpu.dma_semaphore, #tpu.memory_space<semaphore_mem>>)
        %dma_wait3A = tpu.memref_slice %arg6[%mul3A_26] : memref<100000xi32, #tpu.memory_space<hbm>> -> memref<16xi32, #tpu.memory_space<hbm>>
        %dma_wait3A_84 = tpu.memref_slice %arg6[%mul3A_26] : memref<100000xi32, #tpu.memory_space<hbm>> -> memref<16xi32, #tpu.memory_space<hbm>>
        tpu.wait_dma2 semaphore(%run_scoped3A : memref<!tpu.dma_semaphore, #tpu.memory_space<semaphore_mem>>) src(%arg9 : memref<16xi32, #tpu.memory_space<vmem>>) dst(%dma_wait3A_84 : memref<16xi32, #tpu.memory_space<hbm>>)
        tpu.yield
      }) : () -> ()
    } else {
    }
    %eq3A_58 = arith.constant 25 : i32
    %eq3A_59 = arith.cmpi eq, %add3A, %eq3A_58 : i32
    %convert_element_type3A_60 = arith.extui %eq3A_59 : i1 to i32
    %cond3A_61 = arith.constant 0 : i32
    %cond3A_62 = arith.cmpi ne, %convert_element_type3A_60, %cond3A_61 : i32
    scf.if %cond3A_62 {
      %eq3A_63 = arith.constant 0 : i32
      %eq3A_64 = vector.broadcast %eq3A_63 : i32 to vector<16xi32>
      %eq3A_65 = arith.cmpi eq, %iota3A, %eq3A_64 : vector<16xi32>
      %add3A_66 = arith.constant 1 : i32
      %add3A_67 = arith.addi %squeeze3A, %add3A_66 : i32
      %jit3A_68 = arith.constant 0 : i32
      %broadcast_in_dim3A = vector.broadcast %add3A_67 : i32 to vector<16xi32>
      %broadcast_in_dim3A_69 = vector.broadcast %jit3A_68 : i32 to vector<16xi32>
      %select_n3A_70 = arith.select %eq3A_65, %broadcast_in_dim3A, %broadcast_in_dim3A_69 : vector<16xi1>, vector<16xi32>
      %swap3A = arith.constant 0 : index
      %swap3A_71 = tpu.vector_load %arg9[%swap3A] {strides = array<i32>} : memref<16xi32, #tpu.memory_space<vmem>>, vector<16xi32>,
      %swap3A_72 = vector.shape_cast %swap3A_71 : vector<16xi32> to vector<16xi32>
      %swap3A_73 = vector.shape_cast %select_n3A_70 : vector<16xi32> to vector<16xi32>
      tpu.vector_store %arg9[%swap3A], %swap3A_73 {strides = array<i32>} : memref<16xi32, #tpu.memory_space<vmem>>, vector<16xi32>,
      "tpu.region"() ({
        %run_scoped3A = tpu.sem_alloc : memref<!tpu.dma_semaphore, #tpu.memory_space<semaphore_mem>>
        tpu.enqueue_dma source(%arg9 : memref<16xi32, #tpu.memory_space<vmem>>) target(%arg7 : memref<16xi32, #tpu.memory_space<hbm>>) target_semaphore(%run_scoped3A : memref<!tpu.dma_semaphore, #tpu.memory_space<semaphore_mem>>)
        tpu.wait_dma2 semaphore(%run_scoped3A : memref<!tpu.dma_semaphore, #tpu.memory_space<semaphore_mem>>) src(%arg9 : memref<16xi32, #tpu.memory_space<vmem>>) dst(%arg7 : memref<16xi32, #tpu.memory_space<hbm>>)
        tpu.yield
      }) : () -> ()
    } else {
    }
    return
  }
}

module attributes {stable_mosaic.version = 14 : i64} {
  func.func @_tc_body(%arg0: i32, %arg1: memref<1xi32, #tpu.memory_space<smem>>, %arg2: memref<2000x512xi32, #tpu.memory_space<vmem>>, %arg3: memref<1x512xi32, #tpu.memory_space<vmem>>, %arg4: memref<2000x512xi32, #tpu.memory_space<vmem>>) attributes {dimension_semantics = [#tpu.dimension_semantics<arbitrary>], iteration_bounds = array<i64: 50>, scalar_prefetch = 0 : i64, scratch_operands = 0 : i64, tpu.core_type = #tpu.core_type<tc>, window_params = [{transform_indices = @transform_0, window_bounds = array<i64: 1>}, {transform_indices = @transform_1, window_bounds = array<i64: 2000, 512>}, {pipeline_mode = #tpu.pipeline_mode<synchronous>, transform_indices = @transform_2, window_bounds = array<i64: 1, 512>}, {transform_indices = @transform_3, window_bounds = array<i64: 2000, 512>}]} {
    %get3A = arith.constant 0 : index
    %get3A_0 = memref.load %arg1[%get3A] : memref<1xi32, #tpu.memory_space<smem>>
    %mul3A = arith.constant 2000 : i32
    %mul3A_1 = arith.muli %arg0, %mul3A : i32
    %sub3A = arith.subi %get3A_0, %mul3A_1 : i32
    %iota3A = tpu.iota {dimensions = array<i32: 0>} : vector<2000x1xi32>
    %eq3A = vector.broadcast %sub3A : i32 to vector<2000x1xi32>
    %eq3A_2 = arith.cmpi eq, %iota3A, %eq3A : vector<2000x1xi32>
    %get3A_3 = arith.constant 0 : index
    %get3A_4 = arith.constant 0 : index
    %get3A_5 = vector.load %arg3[%get3A_3, %get3A_4] : memref<1x512xi32, #tpu.memory_space<vmem>>, vector<1x512xi32>
    %get3A_6 = arith.constant 0 : index
    %get3A_7 = arith.constant 0 : index
    %get3A_8 = vector.load %arg2[%get3A_6, %get3A_7] : memref<2000x512xi32, #tpu.memory_space<vmem>>, vector<2000x512xi32>
    %broadcast_in_dim3A = vector.shape_cast %eq3A_2 : vector<2000x1xi1> to vector<2000x1xi1>
    %broadcast_in_dim3A_9 = vector.broadcast %broadcast_in_dim3A : vector<2000x1xi1> to vector<2000x512xi1>
    %broadcast_in_dim3A_10 = vector.shape_cast %get3A_5 : vector<1x512xi32> to vector<1x512xi32>
    %broadcast_in_dim3A_11 = vector.broadcast %broadcast_in_dim3A_10 : vector<1x512xi32> to vector<2000x512xi32>
    %select_n3A = arith.select %broadcast_in_dim3A_9, %broadcast_in_dim3A_11, %get3A_8 : vector<2000x512xi1>, vector<2000x512xi32>
    %swap3A = arith.constant 0 : index
    %swap3A_12 = arith.constant 0 : index
    %swap3A_13 = vector.load %arg4[%swap3A, %swap3A_12] : memref<2000x512xi32, #tpu.memory_space<vmem>>, vector<2000x512xi32>
    tpu.vector_store %arg4[%swap3A, %swap3A_12], %select_n3A {strides = array<i32>} : memref<2000x512xi32, #tpu.memory_space<vmem>>, vector<2000x512xi32>,
    return
  }
  func.func @transform_0(%arg0: i32) -> i32 {
    %c0_i32 = arith.constant 0 : i32
    %c0_i32_0 = arith.constant 0 : i32
    return %c0_i32 : i32
  }
  func.func @transform_1(%arg0: i32) -> (i32, i32) {
    %c0_i32 = arith.constant 0 : i32
    %c0_i32_0 = arith.constant 0 : i32
    return %arg0, %c0_i32 : i32, i32
  }
  func.func @transform_2(%arg0: i32) -> (i32, i32) {
    %c0_i32 = arith.constant 0 : i32
    %c0_i32_0 = arith.constant 0 : i32
    %c0_i32_1 = arith.constant 0 : i32
    return %c0_i32, %c0_i32_0 : i32, i32
  }
  func.func @transform_3(%arg0: i32) -> (i32, i32) {
    %c0_i32 = arith.constant 0 : i32
    %c0_i32_0 = arith.constant 0 : i32
    return %arg0, %c0_i32 : i32, i32
  }
}

</mosaic_0001>

<sc_bundles>
// kernel: kernel.4.cloned.1.call-start
scs
__scs_entry_jumppad:
0x0: {  	(pc) =	sbr.rel $0x88, $3  }
0x1: {  	(tag) =	ssettag $0x0;
	lr =	simm.s32 $0x1  }
0x2: {  	[smem:$0x3F9A] =	sst lr;
	_ =	strace $0xD0000000  }
0x3: {  	_ = 	snop  }
0x4: {  	_ = 	snop  }
0x5: {  	_ = 	snop  }
0x6: {  	_ = 	snop  }
0x7: {  	_ = 	snop  }
__scs_overlays_trampoline_lowered:
0x8: {  	[smem:$0x3FA9] =	sst s0  }
0x9: {  	[smem:$0x3FAA] =	sst s1  }
0xa: {  	[smem:$0x3FAB] =	sst s2  }
0xb: {  	[smem:$0x3FAC] =	sst s3  }
0xc: {  	[smem:$0x3FAD] =	sst s4  }
0xd: {  	[smem:$0x3FAE] =	sst s5  }
0xe: {  	[smem:$0x3FAF] =	sst s6  }
0xf: {  	[smem:$0x3FB0] =	sst s7  }
0x10: {  	[smem:$0x3FB1] =	sst s8  }
0x11: {  	[smem:$0x3FB2] =	sst s9;
	s0 =	simm.s32 @!p0 $0x0  }
0x12: {  	s1 =	sld [smem:$0x3F98];
	s0 =	simm.s32 @p0 $0x1  }
0x13: {  	[smem:$0x3FB3] =	sst s0;
	s0 =	simm.s32 @!p1 $0x0  }
0x14: {  	s2 =	sld [smem:$0x3F97];
	s0 =	simm.s32 @p1 $0x1  }
0x15: {  	[smem:$0x3FB4] =	sst s0;
	s0 =	simm.s32 @!p2 $0x0  }
0x16: {  	s3 =	sld [smem:$0x3FDB];
	s0 =	simm.s32 @p2 $0x1  }
0x17: {  	s4 =	simm.s32 $0x1BF5;
	[smem:$0x3FB6] =	sst s0  }
0x18: {  	s0 =	sld [smem:$0x3F99];
	_ =	swait.ge [sflag:s4], $0x0  }
0x19: {  	s7 =	sld [smem:$0x3F9A]  }
0x1a: {  	s8 =	sadd.s32 $0xFFFFE003, lr  }
0x1b: {  	s9 =	sadd.s32 $0xFFFFFEF7, lr;
	s5 =	simm.s32 $0xFFFFFFFF;
	p2 =	slt.u32 s8, $0xFFFFF086  }
0x1c: {  	p1 =	slt.u32 s9, $0xF7A;
	s5 =	simm.s32 @!p2 $0x0  }
0x1d: {  	s5 =	simm.s32 @p1 $0x1;
	p0 =	seq.s32 s7, s2  }
0x1e: {  	s7 =	smul.u32 @!p0 $0xF7A, s2;
	p2 =	seq.s32 @!p0 s5, $0x0  }
0x1f: {  	s9 =	smul.u32 $0xF7A, s1;
	s8 =	simm.s32 @!p0 $0x1BF5;
	p2 =	por !p2, p0  }
0x20: {  	[sflag:s8] =	ssyncset.s32 @!p0 $0xFFFFF086;
	s6 =	sadd.s32 @!p0 s3, s7;
	s7 =	simm.s32 @!p0 $0x108  }
0x21: {  	s3 =	sadd.s32 s3, s9;
	s6 =	sadd.s32 @!p0 $0x88, s6;
	s7 =	simm.s32 @p2 $0x1082  }
0x22: {  	[simem:s7], [sflag:s8] =	dma.local @!p0 [hbm:s6], $0xF7A  }
0x23: {  	s9 =	sor.u32 $0xD0000000, s2;
	s6 =	simm.s32 $0x108;
	_ =	swait.ge @!p0 [sflag:s8], $0x0  }
0x24: {  	s3 =	sadd.s32 $0x88, s3;
	s6 =	simm.s32 @!p1 $0x1082;
	[sflag:s4] =	ssyncset.s32 $0xFFFFF086  }
0x25: {  	[simem:s6], [sflag:s4] =	dma.local [hbm:s3], $0xF7A  }
0x26: {  	[smem:$0x3F9A] =	sst s1;
	(tag) =	ssettag s2;
	_ =	strace s9  }
0x27: {  	s1 =	sld [smem:$0x3FAA]  }
0x28: {  	s2 =	sld [smem:$0x3FAB]  }
0x29: {  	s4 =	sld [smem:$0x3FAD]  }
0x2a: {  	p0 =	seq.s32 s5, $0x0;
	s5 =	sld [smem:$0x3FAE]  }
0x2b: {  	s6 =	sld [smem:$0x3FAF]  }
0x2c: {  	s7 =	sld [smem:$0x3FB0]  }
0x2d: {  	s3 =	simm.s32 $0x108;
	s8 =	sld [smem:$0x3FB1]  }
0x2e: {  	s3 =	simm.s32 @!p0 $0x1082;
	s9 =	sld [smem:$0x3FB2]  }
0x2f: {  	lr =	sadd.s32 s0, s3;
	s0 =	sld [smem:$0x3FA9]  }
0x30: {  	s3 =	sld [smem:$0x3FAC]  }
0x31: {  	[smem:$0x3FB5] =	sst s10  }
0x32: {  	s10 =	sld [smem:$0x3FB3];
	_ =	sdelay $0x3  }
0x33: {  	p0 =	seq.s32 s10, $0x1;
	s10 =	sld [smem:$0x3FB5];
	_ =	sdelay $0x3  }
0x34: {  	[smem:$0x3FB5] =	sst s10  }
0x35: {  	s10 =	sld [smem:$0x3FB4];
	_ =	sdelay $0x3  }
0x36: {  	p1 =	seq.s32 s10, $0x1;
	s10 =	sld [smem:$0x3FB5];
	_ =	sdelay $0x3  }
0x37: {  	[smem:$0x3FB5] =	sst s10  }
0x38: {  	s10 =	sld [smem:$0x3FB6]  }
0x39: {  	_ = 	snop;
	(pc) =	sbr.ind lr, $3  }
0x3a: {  	_ = 	snop  }
0x3b: {  	_ = 	snop  }
0x3c: {  	p2 =	seq.s32 s10, $0x1;
	s10 =	sld [smem:$0x3FB5]  }
0x3d: {  	_ =	shalt  }
0x3e: {  	_ =	shalt  }
0x3f: {  	_ =	shalt  }
0x40: {  	_ =	shalt  }
0x41: {  	_ =	shalt  }
0x42: {  	_ =	shalt  }
0x43: {  	_ =	shalt  }
0x44: {  	_ =	shalt  }
0x45: {  	_ =	shalt  }
0x46: {  	_ =	shalt  }
0x47: {  	_ =	shalt  }
0x48: {  	_ =	shalt  }
0x49: {  	_ =	shalt  }
0x4a: {  	_ =	shalt  }
0x4b: {  	_ =	shalt  }
0x4c: {  	_ =	shalt  }
0x4d: {  	_ =	shalt  }
0x4e: {  	_ =	shalt  }
0x4f: {  	_ =	shalt  }
0x50: {  	_ =	shalt  }
0x51: {  	_ =	shalt  }
0x52: {  	_ =	shalt  }
0x53: {  	_ =	shalt  }
0x54: {  	_ =	shalt  }
0x55: {  	_ =	shalt  }
0x56: {  	_ =	shalt  }
0x57: {  	_ =	shalt  }
0x58: {  	_ =	shalt  }
0x59: {  	_ =	shalt  }
0x5a: {  	_ =	shalt  }
0x5b: {  	_ =	shalt  }
0x5c: {  	_ =	shalt  }
0x5d: {  	_ =	shalt  }
0x5e: {  	_ =	shalt  }
0x5f: {  	_ =	shalt  }
0x60: {  	_ =	shalt  }
0x61: {  	_ =	shalt  }
0x62: {  	_ =	shalt  }
0x63: {  	_ =	shalt  }
0x64: {  	_ =	shalt  }
0x65: {  	_ =	shalt  }
0x66: {  	_ =	shalt  }
0x67: {  	_ =	shalt  }
0x68: {  	_ =	shalt  }
0x69: {  	_ =	shalt  }
0x6a: {  	_ =	shalt  }
0x6b: {  	_ =	shalt  }
0x6c: {  	_ =	shalt  }
0x6d: {  	_ =	shalt  }
0x6e: {  	_ =	shalt  }
0x6f: {  	_ =	shalt  }
0x70: {  	_ =	shalt  }
0x71: {  	_ =	shalt  }
0x72: {  	_ =	shalt  }
0x73: {  	_ =	shalt  }
0x74: {  	_ =	shalt  }
0x75: {  	_ =	shalt  }
0x76: {  	_ =	shalt  }
0x77: {  	_ =	shalt  }
0x78: {  	_ =	shalt  }
0x79: {  	_ =	shalt  }
0x7a: {  	_ =	shalt  }
0x7b: {  	_ =	shalt  }
0x7c: {  	_ =	shalt  }
0x7d: {  	_ =	shalt  }
0x7e: {  	_ =	shalt  }
0x7f: {  	_ =	shalt  }
0x80: {  	_ =	shalt  }
0x81: {  	_ =	shalt  }
0x82: {  	_ =	shalt  }
0x83: {  	_ =	shalt  }
0x84: {  	_ =	shalt  }
0x85: {  	_ =	shalt  }
0x86: {  	_ =	shalt  }
0x87: {  	_ =	shalt  }
.Lfunc_end0:
.L_simem_size_0:
called_computation_lowered:
.L_overlay_start_0:
0x88: {  	s2 =	sld [smem:$0x3FD9]  }
0x89: {  	s3 =	sld [smem:$0x3FFE];
	_ =	sdelay $0x1  }
0x8a: {  	s1 =	srdreg.scid  }
0x8b: {  	s0 =	sand.u32 $0x1, s1  }
0x8c: {  	s14 =	sshll.u32 s0, $0xA;
	s2 =	sadd.s32 s3, s2  }
0x8d: {  	s2 =	sadd.s32 s2, s14  }
0x8e: {  	[smem:$0x3FC1] =	sst s2  }
0x8f: {  	_ = 	snop  }
0x90: {  	s2 =	sld [smem:$0x3FD0];
	_ =	sdelay $0x2  }
0x91: {  	s4 =	simm.s32 $0xA;
	s5 =	simm.s32 $0x10;
	s15 =	sld [smem:$0x3FC8]  }
0x92: {  	[smem:s5], [sflag:s4] =	dma.local [hbm:s2], $0x1  }
0x93: {  	_ =	swait.eq [sflag:s4], $0x1  }
0x94: {  	s16 =	sld [smem:$0x11];
	[sflag:s4] =	ssyncset.done $0x0  }
0x95: {  	s17 =	sld [smem:$0x12];
	[sflag:s4] =	ssyncadd.s32 $0xFFFFFFFF  }
0x96: {  	s18 =	sld [smem:$0x13];
	(tm) =	ssettm $0x1  }
0x97: {  	s6 =	sld [smem:$0x3FFB];
	_ =	sdelay $0x3  }
0x98: {  	_ =	strace s6  }
0x99: {  	s6 =	sld [smem:$0x3FFC];
	_ =	sdelay $0x3  }
0x9a: {  	_ =	strace s6  }
0x9b: {  	s6 =	sld [smem:$0x3FFD];
	_ =	sdelay $0x3  }
0x9c: {  	_ =	strace s6  }
0x9d: {  	_ =	strace $0x8FFFFFFF  }
0x9e: {  	s19 =	sld [smem:$0x3FDB];
	_ =	sdelay $0x1  }
0x9f: {  	s7 =	simm.s32 $_scs_section_size  }
0xa0: {  	s8 =	simm.s32 $_size__tile_overlayer_lowered;
	s9 =	simm.s32 $_tile_overlayer_lowered  }
0xa1: {  	s22 =	simm.s32 $0x1BFF;
	s21 =	sshll.u32 s9, $0x1;
	s6 =	sadd.s32 s7, s19  }
0xa2: {  	s10 =	simm.s32 $0x0;
	s20 =	sshll.u32 s8, $0x1;
	s8 =	sadd.s32 s21, s6  }
0xa3: {  	[timem:s10], [sflag:s22] =	dma.local [hbm:s8], s20  }
0xa4: {  	_ =	swait.ge [sflag:s22], s20  }
0xa5: {  	s7 =	ssub.s32 $0x0, s20;
	[sflag:s22] =	ssyncset.done $0x0  }
0xa6: {  	[sflag:s22] =	ssyncadd.s32 s7;
	_ =	sdelay $0x1  }
0xa7: {  	s23 =	simm.s32 $0x1B8B  }
0xa8: {  	_ =	swait.ge [sflag:s23], $0x1  }
0xa9: {  	[sflag:s23] =	ssyncset.done $0x0  }
0xaa: {  	s25 =	simm.s32 $0x1B8E;
	s24 =	sld [smem:$0x3FFE];
	[sflag:s23] =	ssyncadd.s32 $0xFFFFFFFF  }
0xab: {  	s26 =	simm.s32 $execute0_lowered;
	[smem:$0x3FD2] =	sst s25  }
0xac: {  	s8 =	sshll.u32 s26, $0x1;
	_ =	strace $0x80000046;
	[dreg:$0x1] =	wrdreg $0xFFFFFFFF  }
0xad: {  	s28 =	simm.s32 $_size_execute0_lowered;
	s6 =	sadd.s32 s6, s8;
	[dreg:$0x0] =	wrdreg $0x0  }
0xae: {  	s8 =	sshll.u32 s28, $0x1;
	[dreg:$0x2] =	wrdreg s6  }
0xaf: {  	[dreg:$0x3] =	wrdreg s8  }
0xb0: {  	[dreg:$0x4] =	wrdreg $0xC0  }
0xb1: {  	_ =	task [dreg:s10], $0x5FFFF  }
0xb2: {  	[dreg:$0x1] =	wrdreg $0xFFFFFFFF  }
0xb3: {  	[dreg:$0x0] =	wrdreg $0x60  }
0xb4: {  	[dreg:$0x2] =	wrdreg s15  }
0xb5: {  	[dreg:$0x3] =	wrdreg s17  }
0xb6: {  	[dreg:$0x4] =	wrdreg s24  }
0xb7: {  	[dreg:$0x5] =	wrdreg s16  }
0xb8: {  	[dreg:$0x6] =	wrdreg s18  }
0xb9: {  	[dreg:$0x7] =	wrdreg $0x9  }
0xba: {  	_ =	task.clear_ibuf [dreg:s10], $0x8FFFF;
	_ =	strace $0x90000046  }
0xbb: {  	s29 =	simm.s32 $0x9;
	_ =	strace $0x80000048  }
0xbc: {  	_ =	swait.ge [sflag:s29], $0x1  }
0xbd: {  	[sflag:s29] =	ssyncadd.s32 $0xFFFFFFFF  }
0xbe: {  	_ =	strace $0x90000048  }
0xbf: {  	_ =	sfence  }
0xc0: {  	s30 =	sld [smem:$0x0];
	_ =	sdelay $0x2  }
0xc1: {  	s31 =	sshll.u32 s1, $0xD;
	s1 =	sshrl.u32 s1, $0x2  }
0xc2: {  	s3 =	sand.u32 $0x4000, s31;
	s1 =	sadd.s32 s1, s30  }
0xc3: {  	s0 =	sor.u32 s3, s0;
	s1 =	sshll.u32 s1, $0x11  }
0xc4: {  	s0 =	sor.u32 s1, s0  }
0xc5: {  	s0 =	sadd.s32 $0x8F2B, s0  }
0xc6: {  	[sflag:s0] =	ssyncadd.remote.s32 $0x1  }
0xc7: {  	_ =	sfence.sel $0xFFFF  }
0xc8: {  	[dreg:$0x0] =	wrdreg $0xFFFFFFFF;
	(pc) =	sbr.abs _section_cstart, $3  }
0xc9: {  	[dreg:$0x1] =	wrdreg $0xFFFFFFFF  }
0xca: {  	_ =	task.clear_ibuf [dreg:s10], $0x2FFFF;
	_ =	strace $0x9FFFFFFF  }
0xcb: {  	(tm) =	ssettm $0x7FFFFFFF  }
tec
execute0_lowered:
.L_overlay_start_1:
0x0: {  	(tag) =	ssettag $0x1  }
0x1: {  	s5 =	rddreg [dreg:$0x0]  }
0x2: {  	s2 =	rddreg [dreg:$0x1]  }
0x3: {  	s4 =	rddreg [dreg:$0x2]  }
0x4: {  	s6 =	srdreg.scid;
	s0 =	stileid.u32  }
0x5: {  	s3 =	rddreg [dreg:$0x3];
	s7 =	sand.u32 $0x1, s6;
	s28 =	sshll.u32 s0, $0x1  }
0x6: {  	s1 =	rddreg [dreg:$0x4];
	s6 =	sor.u32 s7, s28;
	s7 =	ssub.s32 $0x2, s7  }
0x7: {  	[dreg:$0xb] =	wrdreg s1;
	s29 =	sshrl.u32 s7, $0x1  }
0x8: {  	s8 =	simm.s32 $0x0;
	s1 =	rddreg [dreg:$0x5];
	s7 =	ssub.s32 s7, s29  }
0x9: {  	[smem:$0x7FF] =	sst s8;
	s7 =	smax.u32 s7, $0x1  }
0xa: {  	s10 =	sadd.s32 $0xE00, s4;
	s9 =	smul.u32 $0x1F4, s6;
	s13 =	sadd.s32 $0xFFFFFFFF, s7  }
0xb: {  	_ =	strace $0x80000047;
	[dreg:$0x6] =	wrdreg s10;
	p3 =	sne.s32 s13, $0x0  }
.Ltmp0:
0xc: {  	s17 =	rddreg [dreg:$0x6];
	s11 =	sadd.s32 s5, s9;
	(pc) =	sbr.rel @!p3 .LBB2_1-.Ltmp0, $4  }
0xd: {  	p2 =	por $0x0, $0x0;
	s30 =	sadd.s32 s3, s9;
	[dreg:$0x7] =	wrdreg s11  }
0xe: {  	s4 =	sadd.s32 $0x1000, s4;
	s31 =	sadd.s32 s2, s9;
	[dreg:$0x8] =	wrdreg s30  }
0xf: {  	p0 =	sne.s32 s6, $0x19;
	s9 =	sadd.s32 s4, s9;
	[dreg:$0x9] =	wrdreg s31  }
0x10: {  	p1 =	sgt.u32 s6, $0x18;
	vm0 =	vcmask @!p0 $0x300;
	[dreg:$0xa] =	wrdreg s9;
	s7 =	simm.s32 $0x1  }
0x11: {  	[tilespmem:s8], [sflag:$0x1] =	stream.linear.gather [hbm4b:s17+s8], $0x80, $0x38;
	[tilespmem:$0x2100] =	vst v63  }
0x12: {  	_ =	swait.ge [sflag:s7], $0x80  }
0x13: {  	[sflag:s7] =	ssyncset.done $0x0  }
0x14: {  	[sflag:s7] =	ssyncadd.s32 $0xFFFFFF80  }
0x15: {  	v0 =	vld [tilespmem:$0x0]  }
0x16: {  	s9 =	simm.s32 @!p1 $0x0  }
0x17: {  	s10 =	simm.s32 @!p1 $0x100;
	s11 =	simm.s32 @!p1 $0x1;
	s12 =	rddreg [dreg:$0x7]  }
0x18: {  	[tilespmem:s10], [sflag:$0x1] =	stream.linear.gather @!p1 [hbm4b:s12+s9], $0xFA0, $0x38;
	[tilespmem:$0x2100] =	vst v63  }
0x19: {  	_ =	swait.ge @!p1 [sflag:s11], $0xFA0  }
0x1a: {  	(v2sf) =	vpush v0, $0x0;
	_ =	sdelay $0x6  }
0x1b: {  	[sflag:s11] =	ssyncset.done @!p1 $0x0  }
0x1c: {  	s12 =	rddreg [dreg:$0x8];
	[sflag:s11] =	ssyncadd.s32 @!p1 $0xFFFFF060  }
0x1d: {  	[hbm4b:s12+s9] =	stream.linear.scatter @!p1 [tilespmem:s10], [sflag:$0x1], $0xFA0, $0x38;
	[tilespmem:$0x2100] =	vst v63  }
0x1e: {  	_ =	swait.ge @!p1 [sflag:s11], $0xFA0  }
0x1f: {  	[sflag:s11] =	ssyncset.done @!p1 $0x0  }
0x20: {  	s12 =	simm.s32 @!p1 $0x1100;
	s14 =	rddreg [dreg:$0x9];
	[sflag:s11] =	ssyncadd.s32 @!p1 $0xFFFFF060  }
0x21: {  	[tilespmem:s12], [sflag:$0x1] =	stream.linear.gather @!p1 [hbm4b:s14+s9], $0xFA0, $0x38;
	[tilespmem:$0x2100] =	vst v63  }
0x22: {  	_ =	swait.ge @!p1 [sflag:s11], $0xFA0  }
0x23: {  	s14 =	spop (v2sf)  }
0x24: {  	s15 =	smulhi.u32 $0x10624DD3, s14;
	s16 =	sshra.s32 s14, $0x1F  }
0x25: {  	s16 =	smul.u32 $0x10624DD3, s16;
	_ =	sdelay $0x1  }
0x26: {  	s15 =	sadd.s32 s16, s15  }
0x27: {  	s16 =	sshrl.u32 s15, $0x1F;
	s15 =	sshra.s32 s15, $0x8  }
0x28: {  	s15 =	sadd.s32 s16, s15  }
0x29: {  	s16 =	smul.u32 $0xFFFFF060, s15  }
0x2a: {  	s31 =	ssub.s32 $0x0, s14  }
0x2b: {  	p2 =	slt.s32 s14, $0x1;
	p3 =	sne.s32 s16, s31  }
0x2c: {  	p2 =	por !p2, !p3  }
0x2d: {  	s16 =	simm.s32 $0x1;
	p2 =	por !p2, !p2  }
0x2e: {  	s16 =	simm.s32 @!p2 $0x0  }
0x2f: {  	p3 =	sgt.s32 s14, $0x1869F;
	s15 =	ssub.s32 s15, s16  }
0x30: {  	[sflag:s11] =	ssyncset.done @!p1 $0x0;
	p4 =	sne.s32 @!p3 s6, s15  }
0x31: {  	[sflag:s11] =	ssyncadd.s32 @!p1 $0xFFFFF060;
	s15 =	rddreg [dreg:$0xa];
	p2 =	por p4, p3  }
0x32: {  	[hbm4b:s15+s9] =	stream.linear.scatter @!p1 [tilespmem:s12], [sflag:$0x1], $0xFA0, $0x38;
	[tilespmem:$0x2100] =	vst v63  }
0x33: {  	s16 =	sand.u32 @!p2 $0xF, s14  }
0x34: {  	p5 =	slt.s32 @!p2 s14, $0x1;
	p6 =	sne.s32 @!p2 s16, $0x0  }
0x35: {  	p5 =	por @!p2 !p5, !p6  }
0x36: {  	s15 =	sshra.s32 @!p2 s14, $0x1F;
	p5 =	por @!p2 !p5, !p5  }
0x37: {  	s15 =	sshrl.u32 @!p2 s15, $0x1C;
	p4 =	por @!p3 !p5, p4  }
0x38: {  	s16 =	simm.s32 @!p2 $0x1;
	s15 =	sadd.s32 @!p2 s15, s14;
	p3 =	por !p4, p3  }
0x39: {  	s15 =	sshrl.u32 @!p2 s15, $0x4;
	s16 =	simm.s32 @!p3 $0x0  }
0x3a: {  	s15 =	ssub.s32 @!p2 s15, s16  }
0x3b: {  	_ =	swait.ge @!p1 [sflag:s11], $0xFA0;
	s15 =	sshll.u32 @!p2 s15, $0x4  }
0x3c: {  	s19 =	simm.s32 @!p2 $0x0;
	[sflag:s11] =	ssyncset.done @!p1 $0x0;
	s17 =	sshrl.u32 @!p2 s15, $0x3  }
0x3d: {  	[sflag:s11] =	ssyncadd.s32 @!p1 $0xFFFFF060;
	s16 =	simm.s32 @!p2 $0x80;
	s18 =	sadd.s32 @!p2 s5, s17  }
0x3e: {  	[tilespmem:s16], [sflag:$0x1] =	stream.linear.gather @!p2 [hbm4b:s18+s19], $0x10, $0x38;
	[tilespmem:$0x2100] =	vst v63  }
0x3f: {  	s18 =	simm.s32 @!p2 $0x1  }
0x40: {  	_ =	swait.ge @!p2 [sflag:s18], $0x10  }
0x41: {  	[sflag:s18] =	ssyncset.done @!p2 $0x0  }
0x42: {  	[sflag:s18] =	ssyncadd.s32 @!p2 $0xFFFFFFF0  }
0x43: {  	v1 =	vld @!p2 [tilespmem:$0x80];
	_ =	sdelay $0x1  }
0x44: {  	s15 =	ssub.s32 @!p2 s14, s15  }
0x45: {  	v2 =	vbroadcast @!p2 v0, $0x1;
	v4 =	vlaneseq.u32 @!p2;
	v3 =	vmov @!p2 s15  }
0x46: {  	vm1 =	veq.s32 @!p2 v3, v4  }
0x47: {  	v1 =	vsel @!p2 vm1, v2, v1  }
0x48: {  	s15 =	sadd.s32 @!p2 s3, s17;
	[tilespmem:$0x80] =	vst @!p2 v1  }
0x49: {  	[hbm4b:s15+s19] =	stream.linear.scatter @!p2 [tilespmem:s16], [sflag:$0x1], $0x10, $0x38;
	[tilespmem:$0x2100] =	vst v63  }
0x4a: {  	_ =	swait.ge @!p2 [sflag:s18], $0x10  }
0x4b: {  	[sflag:s18] =	ssyncset.done @!p2 $0x0  }
0x4c: {  	s15 =	sadd.s32 @!p2 s2, s17;
	[sflag:s18] =	ssyncadd.s32 @!p2 $0xFFFFFFF0  }
0x4d: {  	[tilespmem:s16], [sflag:$0x1] =	stream.linear.gather @!p2 [hbm4b:s15+s19], $0x10, $0x38;
	[tilespmem:$0x2100] =	vst v63  }
0x4e: {  	_ =	swait.ge @!p2 [sflag:s18], $0x10  }
0x4f: {  	[sflag:s18] =	ssyncset.done @!p2 $0x0  }
0x50: {  	[sflag:s18] =	ssyncadd.s32 @!p2 $0xFFFFFFF0  }
0x51: {  	v1 =	vld @!p2 [tilespmem:$0x80];
	_ =	sdelay $0x2  }
0x52: {  	v0 =	vbroadcast @!p2 v0, $0x2;
	_ =	sdelay $0x1  }
0x53: {  	v0 =	vsel @!p2 vm1, v0, v1  }
0x54: {  	s14 =	sadd.s32 @!p0 $0x1, s14;
	s15 =	sadd.s32 @!p2 s4, s17;
	[tilespmem:$0x80] =	vst @!p2 v0  }
0x55: {  	[hbm4b:s15+s19] =	stream.linear.scatter @!p2 [tilespmem:s16], [sflag:$0x1], $0x10, $0x38;
	[tilespmem:$0x2100] =	vst v63  }
0x56: {  	v0 =	vmov @!p0 s14;
	s14 =	sadd.s32 $0xFFFFFFFF, s13;
	_ =	swait.ge @!p2 [sflag:s18], $0x10  }
0x57: {  	p3 =	sne.s32 s14, $0x0;
	[sflag:s18] =	ssyncset.done @!p2 $0x0  }
.Ltmp1:
0x58: {  	s13 =	simm.s32 @!p0 $0x1;
	v0 =	vnsel @!p0 vm0, $0x0, v0;
	[sflag:s18] =	ssyncadd.s32 @!p2 $0xFFFFFFF0;
	(pc) =	sbr.rel @!p3 .LBB2_3-.Ltmp1, $4  }
0x59: {  	s15 =	simm.s32 @!p0 $0x0;
	s16 =	simm.s32 @!p0 $0x80;
	s17 =	rddreg [dreg:$0xb];
	[tilespmem:$0x80] =	vst @!p0 v0  }
0x5a: {  	[hbm4b:s17+s15] =	stream.linear.scatter @!p0 [tilespmem:s16], [sflag:$0x1], $0x80, $0x38;
	[tilespmem:$0x2100] =	vst v63  }
0x5b: {  	_ =	swait.ge @!p0 [sflag:s13], $0x80  }
0x5c: {  	s17 =	rddreg [dreg:$0x6];
	[sflag:s13] =	ssyncset.done @!p0 $0x0  }
.LBB2_4:
0x5d: {  	s14 =	sadd.s32 $0xFFFFFFFF, s14  }
0x5e: {  	[sflag:s13] =	ssyncadd.s32 @!p0 $0xFFFFFF80;
	p2 =	sne.s32 s14, $0x0  }
0x5f: {  	[tilespmem:s8], [sflag:$0x1] =	stream.linear.gather [hbm4b:s17+s8], $0x80, $0x38;
	[tilespmem:$0x2100] =	vst v63  }
0x60: {  	s18 =	simm.s32 @!p2 $0x0  }
0x61: {  	s18 =	simm.s32 @p2 $0x1  }
0x62: {  	[smem:$0x7FD] =	sst s18  }
0x63: {  	_ =	swait.ge [sflag:s7], $0x80  }
0x64: {  	[sflag:s7] =	ssyncset.done $0x0  }
0x65: {  	[sflag:s7] =	ssyncadd.s32 $0xFFFFFF80  }
0x66: {  	v0 =	vld [tilespmem:$0x0];
	_ =	sdelay $0x1  }
0x67: {  	s17 =	rddreg [dreg:$0x7]  }
0x68: {  	[tilespmem:s10], [sflag:$0x1] =	stream.linear.gather @!p1 [hbm4b:s17+s9], $0xFA0, $0x38;
	[tilespmem:$0x2100] =	vst v63  }
0x69: {  	_ =	swait.ge @!p1 [sflag:s11], $0xFA0  }
0x6a: {  	(v2sf) =	vpush v0, $0x0;
	_ =	sdelay $0x6  }
0x6b: {  	[sflag:s11] =	ssyncset.done @!p1 $0x0  }
0x6c: {  	s17 =	rddreg [dreg:$0x8];
	[sflag:s11] =	ssyncadd.s32 @!p1 $0xFFFFF060  }
0x6d: {  	[hbm4b:s17+s9] =	stream.linear.scatter @!p1 [tilespmem:s10], [sflag:$0x1], $0xFA0, $0x38;
	[tilespmem:$0x2100] =	vst v63  }
0x6e: {  	_ =	swait.ge @!p1 [sflag:s11], $0xFA0  }
0x6f: {  	[sflag:s11] =	ssyncset.done @!p1 $0x0  }
0x70: {  	s17 =	rddreg [dreg:$0x9];
	[sflag:s11] =	ssyncadd.s32 @!p1 $0xFFFFF060  }
0x71: {  	[tilespmem:s12], [sflag:$0x1] =	stream.linear.gather @!p1 [hbm4b:s17+s9], $0xFA0, $0x38;
	[tilespmem:$0x2100] =	vst v63  }
0x72: {  	_ =	swait.ge @!p1 [sflag:s11], $0xFA0  }
0x73: {  	s18 =	spop (v2sf)  }
0x74: {  	[sflag:s11] =	ssyncset.done @!p1 $0x0;
	s29 =	smulhi.u32 $0x10624DD3, s18;
	s19 =	sshra.s32 s18, $0x1F  }
0x75: {  	s17 =	rddreg [dreg:$0xa];
	[sflag:s11] =	ssyncadd.s32 @!p1 $0xFFFFF060;
	s19 =	smul.u32 $0x10624DD3, s19  }
0x76: {  	[hbm4b:s17+s9] =	stream.linear.scatter @!p1 [tilespmem:s12], [sflag:$0x1], $0xFA0, $0x38;
	[tilespmem:$0x2100] =	vst v63  }
0x77: {  	s17 =	sadd.s32 s19, s29  }
0x78: {  	s19 =	sshrl.u32 s17, $0x1F;
	s17 =	sshra.s32 s17, $0x8  }
0x79: {  	s17 =	sadd.s32 s19, s17  }
0x7a: {  	s19 =	smul.u32 $0xFFFFF060, s17  }
0x7b: {  	s30 =	ssub.s32 $0x0, s18  }
0x7c: {  	p4 =	slt.s32 s18, $0x1;
	p5 =	sne.s32 s19, s30  }
0x7d: {  	p4 =	por !p4, !p5  }
0x7e: {  	s19 =	simm.s32 $0x1;
	p4 =	por !p4, !p4  }
0x7f: {  	s19 =	simm.s32 @!p4 $0x0  }
0x80: {  	p5 =	sgt.s32 s18, $0x1869F;
	s17 =	ssub.s32 s17, s19  }
0x81: {  	p6 =	sne.s32 @!p5 s6, s17  }
0x82: {  	p4 =	por p6, p5  }
0x83: {  	p3 =	por p1, p1;
	s20 =	sadd.s32 @!p0 $0x1, s18;
	s19 =	sand.u32 @!p4 $0xF, s18  }
0x84: {  	p1 =	por p0, p0;
	v1 =	vmov @!p0 s20;
	p2 =	slt.s32 @!p4 s18, $0x1;
	p0 =	sne.s32 @!p4 s19, $0x0  }
0x85: {  	p0 =	por @!p4 !p2, !p0  }
0x86: {  	s17 =	sshra.s32 @!p4 s18, $0x1F;
	p0 =	por @!p4 !p0, !p0  }
0x87: {  	s17 =	sshrl.u32 @!p4 s17, $0x1C;
	p0 =	por @!p5 !p0, p6  }
0x88: {  	s20 =	simm.s32 @!p4 $0x1;
	s17 =	sadd.s32 @!p4 s17, s18;
	p0 =	por !p0, p5  }
0x89: {  	_ =	swait.ge @!p3 [sflag:s11], $0xFA0;
	s19 =	sshrl.u32 @!p4 s17, $0x4;
	s20 =	simm.s32 @!p0 $0x0  }
0x8a: {  	[sflag:s11] =	ssyncset.done @!p3 $0x0;
	s19 =	ssub.s32 @!p4 s19, s20  }
0x8b: {  	[sflag:s11] =	ssyncadd.s32 @!p3 $0xFFFFF060;
	s19 =	sshll.u32 @!p4 s19, $0x4  }
0x8c: {  	s22 =	simm.s32 @!p4 $0x0;
	s18 =	ssub.s32 @!p4 s18, s19;
	s19 =	sshrl.u32 @!p4 s19, $0x3  }
0x8d: {  	s17 =	simm.s32 @!p4 $0x1;
	s20 =	simm.s32 @!p4 $0x80;
	s21 =	sadd.s32 @!p4 s5, s19  }
0x8e: {  	[tilespmem:s20], [sflag:$0x1] =	stream.linear.gather @!p4 [hbm4b:s21+s22], $0x10, $0x38;
	[tilespmem:$0x2100] =	vst v63  }
0x8f: {  	_ =	swait.ge @!p4 [sflag:s17], $0x10  }
0x90: {  	[sflag:s17] =	ssyncset.done @!p4 $0x0  }
0x91: {  	[sflag:s17] =	ssyncadd.s32 @!p4 $0xFFFFFFF0  }
0x92: {  	v4 =	vld @!p4 [tilespmem:$0x80];
	_ =	sdelay $0x2  }
0x93: {  	v2 =	vbroadcast @!p4 v0, $0x1;
	v5 =	vlaneseq.u32 @!p4;
	v3 =	vmov @!p4 s18  }
0x94: {  	vm1 =	veq.s32 @!p4 v3, v5  }
0x95: {  	v2 =	vsel @!p4 vm1, v2, v4  }
0x96: {  	s18 =	sadd.s32 @!p4 s3, s19;
	[tilespmem:$0x80] =	vst @!p4 v2  }
0x97: {  	[hbm4b:s18+s22] =	stream.linear.scatter @!p4 [tilespmem:s20], [sflag:$0x1], $0x10, $0x38;
	[tilespmem:$0x2100] =	vst v63  }
0x98: {  	_ =	swait.ge @!p4 [sflag:s17], $0x10  }
0x99: {  	[sflag:s17] =	ssyncset.done @!p4 $0x0  }
0x9a: {  	s21 =	sadd.s32 @!p4 s2, s19;
	[sflag:s17] =	ssyncadd.s32 @!p4 $0xFFFFFFF0  }
0x9b: {  	[tilespmem:s20], [sflag:$0x1] =	stream.linear.gather @!p4 [hbm4b:s21+s22], $0x10, $0x38;
	[tilespmem:$0x2100] =	vst v63  }
0x9c: {  	_ =	swait.ge @!p4 [sflag:s17], $0x10  }
0x9d: {  	[sflag:s17] =	ssyncset.done @!p4 $0x0  }
0x9e: {  	[sflag:s17] =	ssyncadd.s32 @!p4 $0xFFFFFFF0  }
0x9f: {  	v2 =	vld @!p4 [tilespmem:$0x80];
	_ =	sdelay $0x2  }
0xa0: {  	v0 =	vbroadcast @!p4 v0, $0x2;
	_ =	sdelay $0x1  }
0xa1: {  	v0 =	vsel @!p4 vm1, v0, v2  }
0xa2: {  	s19 =	sadd.s32 @!p4 s4, s19;
	[tilespmem:$0x80] =	vst @!p4 v0  }
0xa3: {  	[hbm4b:s19+s22] =	stream.linear.scatter @!p4 [tilespmem:s20], [sflag:$0x1], $0x10, $0x38;
	[tilespmem:$0x2100] =	vst v63  }
0xa4: {  	_ =	swait.ge @!p4 [sflag:s17], $0x10  }
0xa5: {  	p0 =	por p1, p1;
	[sflag:s17] =	ssyncset.done @!p4 $0x0  }
0xa6: {  	v0 =	vnsel @!p0 vm0, $0x0, v1;
	[sflag:s17] =	ssyncadd.s32 @!p4 $0xFFFFFFF0  }
0xa7: {  	s18 =	rddreg [dreg:$0xb];
	[tilespmem:$0x80] =	vst @!p0 v0  }
0xa8: {  	[hbm4b:s18+s15] =	stream.linear.scatter @!p0 [tilespmem:s16], [sflag:$0x1], $0x80, $0x38;
	[tilespmem:$0x2100] =	vst v63  }
0xa9: {  	_ =	swait.ge @!p0 [sflag:s13], $0x80  }
0xaa: {  	s31 =	sld [smem:$0x7FD];
	_ =	sdelay $0x2  }
0xab: {  	p2 =	seq.s32 s31, $0x1  }
.Ltmp2:
0xac: {  	_ = 	snop;
	(pc) =	sbr.rel @p2 .LBB2_4-.Ltmp2, $2  }
0xad: {  	_ =	sdelay $0x2  }
0xae: {  	p1 =	por p3, p3;
	s17 =	rddreg [dreg:$0x6];
	[sflag:s13] =	ssyncset.done @!p0 $0x0  }
0xaf: {  	p2 =	por $0x1, $0x1  }
.LBB2_6:
0xb0: {  	p6 =	por p0, p0;
	p0 =	por p0, !p2  }
0xb1: {  	[sflag:s13] =	ssyncadd.s32 @!p0 $0xFFFFFF80  }
0xb2: {  	[tilespmem:s8], [sflag:$0x1] =	stream.linear.gather [hbm4b:s17+s8], $0x80, $0x38;
	[tilespmem:$0x2100] =	vst v63  }
0xb3: {  	_ =	swait.ge [sflag:s7], $0x80  }
0xb4: {  	[sflag:s7] =	ssyncset.done $0x0  }
0xb5: {  	[sflag:s7] =	ssyncadd.s32 $0xFFFFFF80  }
0xb6: {  	v0 =	vld [tilespmem:$0x0]  }
0xb7: {  	s9 =	simm.s32 @!p1 $0x0  }
0xb8: {  	s10 =	simm.s32 @!p1 $0x100;
	s11 =	simm.s32 @!p1 $0x1;
	s8 =	rddreg [dreg:$0x7]  }
0xb9: {  	[tilespmem:s10], [sflag:$0x1] =	stream.linear.gather @!p1 [hbm4b:s8+s9], $0xFA0, $0x38;
	[tilespmem:$0x2100] =	vst v63  }
0xba: {  	_ =	swait.ge @!p1 [sflag:s11], $0xFA0  }
0xbb: {  	(v2sf) =	vpush v0, $0x0;
	_ =	sdelay $0x6  }
0xbc: {  	[sflag:s11] =	ssyncset.done @!p1 $0x0  }
0xbd: {  	s8 =	rddreg [dreg:$0x8];
	[sflag:s11] =	ssyncadd.s32 @!p1 $0xFFFFF060  }
0xbe: {  	[hbm4b:s8+s9] =	stream.linear.scatter @!p1 [tilespmem:s10], [sflag:$0x1], $0xFA0, $0x38;
	[tilespmem:$0x2100] =	vst v63  }
0xbf: {  	_ =	swait.ge @!p1 [sflag:s11], $0xFA0  }
0xc0: {  	[sflag:s11] =	ssyncset.done @!p1 $0x0  }
0xc1: {  	s10 =	simm.s32 @!p1 $0x1100;
	s8 =	rddreg [dreg:$0x9];
	[sflag:s11] =	ssyncadd.s32 @!p1 $0xFFFFF060  }
0xc2: {  	[tilespmem:s10], [sflag:$0x1] =	stream.linear.gather @!p1 [hbm4b:s8+s9], $0xFA0, $0x38;
	[tilespmem:$0x2100] =	vst v63  }
0xc3: {  	_ =	swait.ge @!p1 [sflag:s11], $0xFA0  }
0xc4: {  	s8 =	spop (v2sf)  }
0xc5: {  	[sflag:s11] =	ssyncset.done @!p1 $0x0;
	s28 =	smulhi.u32 $0x10624DD3, s8;
	s14 =	sshra.s32 s8, $0x1F  }
0xc6: {  	s12 =	rddreg [dreg:$0xa];
	[sflag:s11] =	ssyncadd.s32 @!p1 $0xFFFFF060;
	s14 =	smul.u32 $0x10624DD3, s14  }
0xc7: {  	[hbm4b:s12+s9] =	stream.linear.scatter @!p1 [tilespmem:s10], [sflag:$0x1], $0xFA0, $0x38;
	[tilespmem:$0x2100] =	vst v63  }
0xc8: {  	s29 =	sadd.s32 s14, s28  }
0xc9: {  	s30 =	sshrl.u32 s29, $0x1F;
	s9 =	sshra.s32 s29, $0x8  }
0xca: {  	s9 =	sadd.s32 s30, s9  }
0xcb: {  	s10 =	smul.u32 $0xFFFFF060, s9  }
0xcc: {  	s31 =	ssub.s32 $0x0, s8  }
0xcd: {  	p4 =	slt.s32 s8, $0x1;
	p5 =	sne.s32 s10, s31  }
0xce: {  	p0 =	por !p4, !p5  }
0xcf: {  	p0 =	por !p0, !p0  }
0xd0: {  	s7 =	simm.s32 @!p0 $0x0  }
0xd1: {  	p0 =	sgt.s32 s8, $0x1869F;
	s7 =	ssub.s32 s9, s7  }
0xd2: {  	p3 =	sne.s32 @!p0 s6, s7  }
0xd3: {  	p2 =	por p3, p0  }
0xd4: {  	s6 =	sand.u32 @!p2 $0xF, s8  }
0xd5: {  	p4 =	slt.s32 @!p2 s8, $0x1;
	p5 =	sne.s32 @!p2 s6, $0x0  }
0xd6: {  	p4 =	por @!p2 !p4, !p5  }
0xd7: {  	s6 =	sshra.s32 @!p2 s8, $0x1F;
	p4 =	por @!p2 !p4, !p4  }
0xd8: {  	s6 =	sshrl.u32 @!p2 s6, $0x1C;
	p3 =	por @!p0 !p4, p3  }
0xd9: {  	s7 =	simm.s32 @!p2 $0x1;
	s6 =	sadd.s32 @!p2 s6, s8;
	p0 =	por !p3, p0  }
0xda: {  	s6 =	sshrl.u32 @!p2 s6, $0x4;
	s7 =	simm.s32 @!p0 $0x0  }
0xdb: {  	_ =	swait.ge @!p1 [sflag:s11], $0xFA0;
	s6 =	ssub.s32 @!p2 s6, s7  }
0xdc: {  	[sflag:s11] =	ssyncset.done @!p1 $0x0;
	s6 =	sshll.u32 @!p2 s6, $0x4  }
0xdd: {  	[sflag:s11] =	ssyncadd.s32 @!p1 $0xFFFFF060;
	s9 =	simm.s32 @!p2 $0x80;
	s10 =	sshrl.u32 @!p2 s6, $0x3  }
0xde: {  	s11 =	simm.s32 @!p2 $0x0;
	s7 =	simm.s32 @!p2 $0x1;
	s5 =	sadd.s32 @!p2 s5, s10  }
0xdf: {  	[tilespmem:s9], [sflag:$0x1] =	stream.linear.gather @!p2 [hbm4b:s5+s11], $0x10, $0x38;
	[tilespmem:$0x2100] =	vst v63  }
0xe0: {  	_ =	swait.ge @!p2 [sflag:s7], $0x10  }
0xe1: {  	[sflag:s7] =	ssyncset.done @!p2 $0x0  }
0xe2: {  	[sflag:s7] =	ssyncadd.s32 @!p2 $0xFFFFFFF0  }
0xe3: {  	v1 =	vld @!p2 [tilespmem:$0x80];
	_ =	sdelay $0x1  }
0xe4: {  	s5 =	ssub.s32 @!p2 s8, s6  }
0xe5: {  	v2 =	vbroadcast @!p2 v0, $0x1;
	v4 =	vlaneseq.u32 @!p2;
	v3 =	vmov @!p2 s5  }
0xe6: {  	vm1 =	veq.s32 @!p2 v3, v4  }
0xe7: {  	v1 =	vsel @!p2 vm1, v2, v1  }
0xe8: {  	s3 =	sadd.s32 @!p2 s3, s10;
	[tilespmem:$0x80] =	vst @!p2 v1  }
0xe9: {  	[hbm4b:s3+s11] =	stream.linear.scatter @!p2 [tilespmem:s9], [sflag:$0x1], $0x10, $0x38;
	[tilespmem:$0x2100] =	vst v63  }
0xea: {  	_ =	swait.ge @!p2 [sflag:s7], $0x10  }
0xeb: {  	[sflag:s7] =	ssyncset.done @!p2 $0x0  }
0xec: {  	s2 =	sadd.s32 @!p2 s2, s10;
	[sflag:s7] =	ssyncadd.s32 @!p2 $0xFFFFFFF0  }
0xed: {  	[tilespmem:s9], [sflag:$0x1] =	stream.linear.gather @!p2 [hbm4b:s2+s11], $0x10, $0x38;
	[tilespmem:$0x2100] =	vst v63  }
0xee: {  	_ =	swait.ge @!p2 [sflag:s7], $0x10  }
0xef: {  	[sflag:s7] =	ssyncset.done @!p2 $0x0  }
0xf0: {  	[sflag:s7] =	ssyncadd.s32 @!p2 $0xFFFFFFF0  }
0xf1: {  	v1 =	vld @!p2 [tilespmem:$0x80];
	_ =	sdelay $0x2  }
0xf2: {  	v0 =	vbroadcast @!p2 v0, $0x2;
	_ =	sdelay $0x1  }
0xf3: {  	v0 =	vsel @!p2 vm1, v0, v1  }
0xf4: {  	s2 =	sadd.s32 @!p2 s4, s10;
	[tilespmem:$0x80] =	vst @!p2 v0  }
0xf5: {  	[hbm4b:s2+s11] =	stream.linear.scatter @!p2 [tilespmem:s9], [sflag:$0x1], $0x10, $0x38;
	[tilespmem:$0x2100] =	vst v63  }
0xf6: {  	s2 =	sadd.s32 @!p6 $0x1, s8;
	_ =	swait.ge @!p2 [sflag:s7], $0x10  }
0xf7: {  	v0 =	vmov @!p6 s2;
	[sflag:s7] =	ssyncset.done @!p2 $0x0  }
0xf8: {  	s5 =	simm.s32 @!p6 $0x1;
	v0 =	vnsel @!p6 vm0, $0x0, v0;
	[sflag:s7] =	ssyncadd.s32 @!p2 $0xFFFFFFF0  }
0xf9: {  	s3 =	simm.s32 @!p6 $0x0;
	s4 =	simm.s32 @!p6 $0x80;
	s2 =	rddreg [dreg:$0xb];
	[tilespmem:$0x80] =	vst @!p6 v0  }
0xfa: {  	[hbm4b:s2+s3] =	stream.linear.scatter @!p6 [tilespmem:s4], [sflag:$0x1], $0x80, $0x38;
	[tilespmem:$0x2100] =	vst v63  }
0xfb: {  	_ =	swait.ge @!p6 [sflag:s5], $0x80  }
0xfc: {  	[sflag:s5] =	ssyncset.done @!p6 $0x0  }
0xfd: {  	[sflag:s5] =	ssyncadd.s32 @!p6 $0xFFFFFF80  }
0xfe: {  	_ =	sfence.sel $0x180000  }
0xff: {  	[bflag:$0x0] =	sbarrier.arrive $0xFFFF  }
0x100: {  	p0 =	sne.s32 s0, $0x0;
	_ =	strace $0x90000047  }
0x101: {  	s0 =	sadd.s32 @!p0 $0x100000, s1;
	[bflag:$0x2] =	sbarrier.arrive $0xFFFF  }
0x102: {  	[sflag:s0] =	ssyncadd.tile.s32 @!p0 $0x1;
	_ =	shalt  }
.LBB2_1:
.Ltmp3:
0x103: {  	(pc) =	sbr.rel .LBB2_6-.Ltmp3, $2  }
0x104: {  	_ =	sdelay $0x2  }
0x105: {  	_ = 	snop  }
.LBB2_3:
.Ltmp4:
0x106: {  	(pc) =	sbr.rel .LBB2_6-.Ltmp4, $2  }
0x107: {  	_ =	sdelay $0x2  }
0x108: {  	p2 =	por $0x1, $0x1  }
.Lfunc_end2:
_tile_overlayer_lowered:
.L_overlay_start_2:
0x109: {  	(tag) =	ssettag $0x2  }
0x10a: {  	s0 =	rddreg [dreg:$0x0];
	s2 =	stileid.u32  }
0x10b: {  	s1 =	rddreg [dreg:$0x1];
	p0 =	sne.s32 s2, $0x0  }
0x10c: {  	s3 =	rddreg [dreg:$0x2];
	[bflag:$0x3] =	sbarrier.arrive $0xFFFF;
	s2 =	simm.s32 @!p0 $0x1C01  }
0x10d: {  	[timem:s3], [sflag:s2] =	dma.local @!p0 [hbm:s0], s1  }
0x10e: {  	s0 =	simm.s32 @!p0 $0x1  }
0x10f: {  	_ =	swait.ge @!p0 [sflag:s0], s1  }
0x110: {  	s1 =	ssub.s32 @!p0 $0x0, s1;
	[sflag:s0] =	ssyncset.done @!p0 $0x0  }
0x111: {  	[sflag:s0] =	ssyncadd.s32 @!p0 s1  }
0x112: {  	[bflag:$0x3] =	sbarrier.arrive $0xFFFF  }
0x113: {  	_ =	shalt  }

</sc_bundles>
